<compile_context>
chip_gen: v7x
topology: tpu7x:2x2x1
jax: 0.10.2.dev20260603
libtpu: 0.0.44.dev20260713+nightly
codegen_flags: <defaults>
</compile_context>

<pallas_src>
import jax
import jax.numpy as jnp
from jax import lax
from jax.experimental import pallas as pl
from jax.experimental.pallas import tpu as pltpu
from jax.experimental.pallas import tpu_sc as plsc

N = 10000
M = 5000
D = 320
TILE = 200
NSTEPS_G = M // TILE

BLK = 40
NBLK = M // BLK
NW = 32
KMAX = (NBLK + NW - 1) // NW


def _tc_kernel(a_ref, x_ref, w_ref, b_ref, oa_ref, og_ref):
    i = pl.program_id(0)
    oa_ref[...] = a_ref[...]

    @pl.when(i < NSTEPS_G)
    def _compute():
        x = x_ref[...]
        att = jax.nn.sigmoid(
            jax.lax.dot_general(
                x, w_ref[...],
                dimension_numbers=(((1,), (1,)), ((), ())),
                preferred_element_type=jnp.float32,
            )
            + b_ref[...]
        )
        og_ref[...] = x * att


def _sc_scatter(gated_hbm, idx_hbm, zeros_hbm, out_hbm, idx_v, rows_v, zeros_v, sem):
    wid = lax.axis_index("s") * 2 + lax.axis_index("c")
    pltpu.sync_copy(zeros_hbm, zeros_v)
    for k in range(KMAX):
        blk = wid + NW * k

        @pl.when(blk < NBLK)
        def _scatter():
            base = blk * BLK
            pltpu.sync_copy(idx_hbm.at[pl.ds(base, BLK)], idx_v)
            pltpu.sync_copy(gated_hbm.at[pl.ds(base, BLK)], rows_v)
            pltpu.async_copy(rows_v, out_hbm.at[idx_v], sem).wait()

    for k in range(KMAX):
        blk = wid + NW * k

        @pl.when(blk < NBLK)
        def _zero_tail():
            pltpu.sync_copy(zeros_v, out_hbm.at[pl.ds(M + blk * BLK, BLK)])


def kernel(A, X, idx, W, b):
    b2 = b.reshape(1, D)
    A_out, gated = pl.pallas_call(
        _tc_kernel,
        grid=(N // TILE,),
        in_specs=[
            pl.BlockSpec((TILE, N), lambda i: (i, 0)),
            pl.BlockSpec((TILE, D), lambda i: (jnp.minimum(i, NSTEPS_G - 1), 0)),
            pl.BlockSpec((D, D), lambda i: (0, 0)),
            pl.BlockSpec((1, D), lambda i: (0, 0)),
        ],
        out_specs=[
            pl.BlockSpec((TILE, N), lambda i: (i, 0)),
            pl.BlockSpec((TILE, D), lambda i: (jnp.minimum(i, NSTEPS_G - 1), 0)),
        ],
        out_shape=[
            jax.ShapeDtypeStruct((N, N), A.dtype),
            jax.ShapeDtypeStruct((M, D), X.dtype),
        ],
    )(A, X, W, b2)

    zeros_blk = jnp.zeros((BLK, D), jnp.float32)
    mesh = plsc.VectorSubcoreMesh(core_axis_name="c", subcore_axis_name="s")
    new_X = pl.kernel(
        _sc_scatter,
        out_type=jax.ShapeDtypeStruct((N, D), jnp.float32),
        mesh=mesh,
        scratch_types=[
            pltpu.VMEM((BLK,), jnp.int32),
            pltpu.VMEM((BLK, D), jnp.float32),
            pltpu.VMEM((BLK, D), jnp.float32),
            pltpu.SemaphoreType.DMA,
        ],
        compiler_params=pltpu.CompilerParams(use_tc_tiling_on_sc=False),
    )(gated, idx, zeros_blk)
    return (A_out, new_X)

# --- scband reference (transcript-rebuilt; emitter-appended) ---
"""Pipeline reference for scband-graph-attention-unpool-46943992545658 (READ-ONLY COPY).

The authoritative reference and input builder live on the scoring server;
editing this copy changes nothing except your own understanding.
"""

import jax, jax.numpy as jnp
import numpy as np

N = 10000
M = 5000
D = 320

def setup_inputs(seed: int = 0) -> dict:
    key = jax.random.key(seed)
    k1, k2, k3, k4 = jax.random.split(key, 4)
    A = jax.random.uniform(k1, (N, N), dtype=jnp.float32)
    X = jax.random.normal(k2, (M, D), dtype=jnp.float32)
    idx = jnp.arange(M, dtype=jnp.int32)
    # learned params of nn.Linear(320, 320)
    W = jax.random.normal(k3, (D, D), dtype=jnp.float32) * 0.05
    b = jax.random.normal(k4, (D,), dtype=jnp.float32) * 0.05
    return {"A": A, "X": X, "idx": idx, "W": W, "b": b}

def reference(A, X, idx, W, b):
    # attention_weights = sigmoid(Linear(X))
    attention_weights = jax.nn.sigmoid(X @ W.T + b)
    # new_X = zeros([A.shape[0], X.shape[1]]); new_X[idx] = X * attention_weights
    new_X = jnp.zeros((A.shape[0], X.shape[1]), dtype=X.dtype)
    new_X = new_X.at[idx].set(X * attention_weights)
    return (A, new_X)

if __name__ == "__main__":
    import jax
    _d = setup_inputs()
    print(jax.jit(kernel)(*tuple(_d.values())))

</pallas_src>

<mosaic_0001>
#map = affine_map<(d0, d1) -> (0, 0)>
#map1 = affine_map<(d0, d1) -> (0)>
module attributes {stable_mosaic.version = 14 : i64} {
  func.func @_sc_scatter(%arg0: i32, %arg1: i32, %arg2: memref<5000x320xf32, #tpu.memory_space<hbm>>, %arg3: memref<5000xi32, #tpu.memory_space<hbm>>, %arg4: memref<40x320xf32, #tpu.memory_space<hbm>>, %arg5: memref<10000x320xf32, #tpu.memory_space<hbm>>, %arg6: memref<40xi32, #tpu.memory_space<vmem>>, %arg7: memref<40x320xf32, #tpu.memory_space<vmem>>, %arg8: memref<40x320xf32, #tpu.memory_space<vmem>>, %arg9: memref<!tpu.dma_semaphore, #tpu.memory_space<semaphore_mem>>) attributes {dimension_semantics = [#tpu.dimension_semantics<core_parallel>, #tpu.dimension_semantics<subcore_parallel>], iteration_bounds = array<i64: 2, 16>, scalar_prefetch = 0 : i64, scratch_operands = 4 : i64, tpu.core_type = #tpu.core_type<sc_vector_subcore>, window_params = [{transform_indices = #map}, {transform_indices = #map1}, {transform_indices = #map}, {transform_indices = #map}]} {
    %mul3A = arith.constant 2 : i32
    %mul3A_0 = arith.muli %arg1, %mul3A : i32
    %add3A = arith.addi %mul3A_0, %arg0 : i32
    "tpu.region"() ({
      %run_scoped3A = tpu.sem_alloc : memref<!tpu.dma_semaphore, #tpu.memory_space<semaphore_mem>>
      tpu.enqueue_dma source(%arg4 : memref<40x320xf32, #tpu.memory_space<hbm>>) target(%arg8 : memref<40x320xf32, #tpu.memory_space<vmem>>) target_semaphore(%run_scoped3A : memref<!tpu.dma_semaphore, #tpu.memory_space<semaphore_mem>>)
      tpu.wait_dma2 semaphore(%run_scoped3A : memref<!tpu.dma_semaphore, #tpu.memory_space<semaphore_mem>>) src(%arg4 : memref<40x320xf32, #tpu.memory_space<hbm>>) dst(%arg8 : memref<40x320xf32, #tpu.memory_space<vmem>>)
      tpu.yield
    }) : () -> ()
    %add3A_1 = arith.constant 0 : i32
    %add3A_2 = arith.addi %add3A, %add3A_1 : i32
    %lt3A = arith.constant 125 : i32
    %lt3A_3 = arith.cmpi slt, %add3A_2, %lt3A : i32
    %convert_element_type3A = arith.extui %lt3A_3 : i1 to i32
    %cond3A = arith.constant 0 : i32
    %cond3A_4 = arith.cmpi ne, %convert_element_type3A, %cond3A : i32
    scf.if %cond3A_4 {
      %mul3A_54 = arith.constant 40 : i32
      %mul3A_55 = arith.muli %add3A_2, %mul3A_54 : i32
      "tpu.region"() ({
        %run_scoped3A = tpu.sem_alloc : memref<!tpu.dma_semaphore, #tpu.memory_space<semaphore_mem>>
        %dma_start3A_60 = tpu.memref_slice %arg3[%mul3A_55] : memref<5000xi32, #tpu.memory_space<hbm>> -> memref<40xi32, #tpu.memory_space<hbm>>
        %dma_start3A_61 = tpu.memref_slice %arg3[%mul3A_55] : memref<5000xi32, #tpu.memory_space<hbm>> -> memref<40xi32, #tpu.memory_space<hbm>>
        tpu.enqueue_dma source(%dma_start3A_61 : memref<40xi32, #tpu.memory_space<hbm>>) target(%arg6 : memref<40xi32, #tpu.memory_space<vmem>>) target_semaphore(%run_scoped3A : memref<!tpu.dma_semaphore, #tpu.memory_space<semaphore_mem>>)
        %dma_wait3A_62 = tpu.memref_slice %arg3[%mul3A_55] : memref<5000xi32, #tpu.memory_space<hbm>> -> memref<40xi32, #tpu.memory_space<hbm>>
        %dma_wait3A_63 = tpu.memref_slice %arg3[%mul3A_55] : memref<5000xi32, #tpu.memory_space<hbm>> -> memref<40xi32, #tpu.memory_space<hbm>>
        tpu.wait_dma2 semaphore(%run_scoped3A : memref<!tpu.dma_semaphore, #tpu.memory_space<semaphore_mem>>) src(%dma_wait3A_63 : memref<40xi32, #tpu.memory_space<hbm>>) dst(%arg6 : memref<40xi32, #tpu.memory_space<vmem>>)
        tpu.yield
      }) : () -> ()
      "tpu.region"() ({
        %run_scoped3A = tpu.sem_alloc : memref<!tpu.dma_semaphore, #tpu.memory_space<semaphore_mem>>
        %dma_start3A_60 = arith.constant 0 : i32
        %dma_start3A_61 = tpu.memref_slice %arg2[%mul3A_55, %dma_start3A_60] : memref<5000x320xf32, #tpu.memory_space<hbm>> -> memref<40x320xf32, #tpu.memory_space<hbm>>
        %dma_start3A_62 = arith.constant 0 : i32
        %dma_start3A_63 = tpu.memref_slice %arg2[%mul3A_55, %dma_start3A_62] : memref<5000x320xf32, #tpu.memory_space<hbm>> -> memref<40x320xf32, #tpu.memory_space<hbm>>
        tpu.enqueue_dma source(%dma_start3A_63 : memref<40x320xf32, #tpu.memory_space<hbm>>) target(%arg7 : memref<40x320xf32, #tpu.memory_space<vmem>>) target_semaphore(%run_scoped3A : memref<!tpu.dma_semaphore, #tpu.memory_space<semaphore_mem>>)
        %dma_wait3A_64 = arith.constant 0 : i32
        %dma_wait3A_65 = tpu.memref_slice %arg2[%mul3A_55, %dma_wait3A_64] : memref<5000x320xf32, #tpu.memory_space<hbm>> -> memref<40x320xf32, #tpu.memory_space<hbm>>
        %dma_wait3A_66 = arith.constant 0 : i32
        %dma_wait3A_67 = tpu.memref_slice %arg2[%mul3A_55, %dma_wait3A_66] : memref<5000x320xf32, #tpu.memory_space<hbm>> -> memref<40x320xf32, #tpu.memory_space<hbm>>
        tpu.wait_dma2 semaphore(%run_scoped3A : memref<!tpu.dma_semaphore, #tpu.memory_space<semaphore_mem>>) src(%dma_wait3A_67 : memref<40x320xf32, #tpu.memory_space<hbm>>) dst(%arg7 : memref<40x320xf32, #tpu.memory_space<vmem>>)
        tpu.yield
      }) : () -> ()
      %dma_start3A = arith.constant 0 : i32
      %dma_start3A_56 = arith.constant 0 : i32
      %dma_start3A_57 = tpu.memref_slice %arg5[%dma_start3A, %dma_start3A_56] : memref<10000x320xf32, #tpu.memory_space<hbm>> -> memref<10000x320xf32, #tpu.memory_space<hbm>>
      tpu.enqueue_indirect_dma source(%arg7 : memref<40x320xf32, #tpu.memory_space<vmem>>) target(%dma_start3A_57 : memref<10000x320xf32, #tpu.memory_space<hbm>>) offsets(%arg6 : memref<40xi32, #tpu.memory_space<vmem>>) semaphore(%arg9 : memref<!tpu.dma_semaphore, #tpu.memory_space<semaphore_mem>>)
      %dma_wait3A = arith.constant 0 : i32
      %dma_wait3A_58 = arith.constant 0 : i32
      %dma_wait3A_59 = tpu.memref_slice %arg5[%dma_wait3A, %dma_wait3A_58] : memref<10000x320xf32, #tpu.memory_space<hbm>> -> memref<10000x320xf32, #tpu.memory_space<hbm>>
      tpu.wait_indirect_dma semaphore(%arg9 : memref<!tpu.dma_semaphore, #tpu.memory_space<semaphore_mem>>) src(%arg7 : memref<40x320xf32, #tpu.memory_space<vmem>>) dst(%dma_wait3A_59 : memref<10000x320xf32, #tpu.memory_space<hbm>>)
    } else {
    }
    %add3A_5 = arith.constant 32 : i32
    %add3A_6 = arith.addi %add3A, %add3A_5 : i32
    %lt3A_7 = arith.constant 125 : i32
    %lt3A_8 = arith.cmpi slt, %add3A_6, %lt3A_7 : i32
    %convert_element_type3A_9 = arith.extui %lt3A_8 : i1 to i32
    %cond3A_10 = arith.constant 0 : i32
    %cond3A_11 = arith.cmpi ne, %convert_element_type3A_9, %cond3A_10 : i32
    scf.if %cond3A_11 {
      %mul3A_54 = arith.constant 40 : i32
      %mul3A_55 = arith.muli %add3A_6, %mul3A_54 : i32
      "tpu.region"() ({
        %run_scoped3A = tpu.sem_alloc : memref<!tpu.dma_semaphore, #tpu.memory_space<semaphore_mem>>
        %dma_start3A_60 = tpu.memref_slice %arg3[%mul3A_55] : memref<5000xi32, #tpu.memory_space<hbm>> -> memref<40xi32, #tpu.memory_space<hbm>>
        %dma_start3A_61 = tpu.memref_slice %arg3[%mul3A_55] : memref<5000xi32, #tpu.memory_space<hbm>> -> memref<40xi32, #tpu.memory_space<hbm>>
        tpu.enqueue_dma source(%dma_start3A_61 : memref<40xi32, #tpu.memory_space<hbm>>) target(%arg6 : memref<40xi32, #tpu.memory_space<vmem>>) target_semaphore(%run_scoped3A : memref<!tpu.dma_semaphore, #tpu.memory_space<semaphore_mem>>)
        %dma_wait3A_62 = tpu.memref_slice %arg3[%mul3A_55] : memref<5000xi32, #tpu.memory_space<hbm>> -> memref<40xi32, #tpu.memory_space<hbm>>
        %dma_wait3A_63 = tpu.memref_slice %arg3[%mul3A_55] : memref<5000xi32, #tpu.memory_space<hbm>> -> memref<40xi32, #tpu.memory_space<hbm>>
        tpu.wait_dma2 semaphore(%run_scoped3A : memref<!tpu.dma_semaphore, #tpu.memory_space<semaphore_mem>>) src(%dma_wait3A_63 : memref<40xi32, #tpu.memory_space<hbm>>) dst(%arg6 : memref<40xi32, #tpu.memory_space<vmem>>)
        tpu.yield
      }) : () -> ()
      "tpu.region"() ({
        %run_scoped3A = tpu.sem_alloc : memref<!tpu.dma_semaphore, #tpu.memory_space<semaphore_mem>>
        %dma_start3A_60 = arith.constant 0 : i32
        %dma_start3A_61 = tpu.memref_slice %arg2[%mul3A_55, %dma_start3A_60] : memref<5000x320xf32, #tpu.memory_space<hbm>> -> memref<40x320xf32, #tpu.memory_space<hbm>>
        %dma_start3A_62 = arith.constant 0 : i32
        %dma_start3A_63 = tpu.memref_slice %arg2[%mul3A_55, %dma_start3A_62] : memref<5000x320xf32, #tpu.memory_space<hbm>> -> memref<40x320xf32, #tpu.memory_space<hbm>>
        tpu.enqueue_dma source(%dma_start3A_63 : memref<40x320xf32, #tpu.memory_space<hbm>>) target(%arg7 : memref<40x320xf32, #tpu.memory_space<vmem>>) target_semaphore(%run_scoped3A : memref<!tpu.dma_semaphore, #tpu.memory_space<semaphore_mem>>)
        %dma_wait3A_64 = arith.constant 0 : i32
        %dma_wait3A_65 = tpu.memref_slice %arg2[%mul3A_55, %dma_wait3A_64] : memref<5000x320xf32, #tpu.memory_space<hbm>> -> memref<40x320xf32, #tpu.memory_space<hbm>>
        %dma_wait3A_66 = arith.constant 0 : i32
        %dma_wait3A_67 = tpu.memref_slice %arg2[%mul3A_55, %dma_wait3A_66] : memref<5000x320xf32, #tpu.memory_space<hbm>> -> memref<40x320xf32, #tpu.memory_space<hbm>>
        tpu.wait_dma2 semaphore(%run_scoped3A : memref<!tpu.dma_semaphore, #tpu.memory_space<semaphore_mem>>) src(%dma_wait3A_67 : memref<40x320xf32, #tpu.memory_space<hbm>>) dst(%arg7 : memref<40x320xf32, #tpu.memory_space<vmem>>)
        tpu.yield
      }) : () -> ()
      %dma_start3A = arith.constant 0 : i32
      %dma_start3A_56 = arith.constant 0 : i32
      %dma_start3A_57 = tpu.memref_slice %arg5[%dma_start3A, %dma_start3A_56] : memref<10000x320xf32, #tpu.memory_space<hbm>> -> memref<10000x320xf32, #tpu.memory_space<hbm>>
      tpu.enqueue_indirect_dma source(%arg7 : memref<40x320xf32, #tpu.memory_space<vmem>>) target(%dma_start3A_57 : memref<10000x320xf32, #tpu.memory_space<hbm>>) offsets(%arg6 : memref<40xi32, #tpu.memory_space<vmem>>) semaphore(%arg9 : memref<!tpu.dma_semaphore, #tpu.memory_space<semaphore_mem>>)
      %dma_wait3A = arith.constant 0 : i32
      %dma_wait3A_58 = arith.constant 0 : i32
      %dma_wait3A_59 = tpu.memref_slice %arg5[%dma_wait3A, %dma_wait3A_58] : memref<10000x320xf32, #tpu.memory_space<hbm>> -> memref<10000x320xf32, #tpu.memory_space<hbm>>
      tpu.wait_indirect_dma semaphore(%arg9 : memref<!tpu.dma_semaphore, #tpu.memory_space<semaphore_mem>>) src(%arg7 : memref<40x320xf32, #tpu.memory_space<vmem>>) dst(%dma_wait3A_59 : memref<10000x320xf32, #tpu.memory_space<hbm>>)
    } else {
    }
    %add3A_12 = arith.constant 64 : i32
    %add3A_13 = arith.addi %add3A, %add3A_12 : i32
    %lt3A_14 = arith.constant 125 : i32
    %lt3A_15 = arith.cmpi slt, %add3A_13, %lt3A_14 : i32
    %convert_element_type3A_16 = arith.extui %lt3A_15 : i1 to i32
    %cond3A_17 = arith.constant 0 : i32
    %cond3A_18 = arith.cmpi ne, %convert_element_type3A_16, %cond3A_17 : i32
    scf.if %cond3A_18 {
      %mul3A_54 = arith.constant 40 : i32
      %mul3A_55 = arith.muli %add3A_13, %mul3A_54 : i32
      "tpu.region"() ({
        %run_scoped3A = tpu.sem_alloc : memref<!tpu.dma_semaphore, #tpu.memory_space<semaphore_mem>>
        %dma_start3A_60 = tpu.memref_slice %arg3[%mul3A_55] : memref<5000xi32, #tpu.memory_space<hbm>> -> memref<40xi32, #tpu.memory_space<hbm>>
        %dma_start3A_61 = tpu.memref_slice %arg3[%mul3A_55] : memref<5000xi32, #tpu.memory_space<hbm>> -> memref<40xi32, #tpu.memory_space<hbm>>
        tpu.enqueue_dma source(%dma_start3A_61 : memref<40xi32, #tpu.memory_space<hbm>>) target(%arg6 : memref<40xi32, #tpu.memory_space<vmem>>) target_semaphore(%run_scoped3A : memref<!tpu.dma_semaphore, #tpu.memory_space<semaphore_mem>>)
        %dma_wait3A_62 = tpu.memref_slice %arg3[%mul3A_55] : memref<5000xi32, #tpu.memory_space<hbm>> -> memref<40xi32, #tpu.memory_space<hbm>>
        %dma_wait3A_63 = tpu.memref_slice %arg3[%mul3A_55] : memref<5000xi32, #tpu.memory_space<hbm>> -> memref<40xi32, #tpu.memory_space<hbm>>
        tpu.wait_dma2 semaphore(%run_scoped3A : memref<!tpu.dma_semaphore, #tpu.memory_space<semaphore_mem>>) src(%dma_wait3A_63 : memref<40xi32, #tpu.memory_space<hbm>>) dst(%arg6 : memref<40xi32, #tpu.memory_space<vmem>>)
        tpu.yield
      }) : () -> ()
      "tpu.region"() ({
        %run_scoped3A = tpu.sem_alloc : memref<!tpu.dma_semaphore, #tpu.memory_space<semaphore_mem>>
        %dma_start3A_60 = arith.constant 0 : i32
        %dma_start3A_61 = tpu.memref_slice %arg2[%mul3A_55, %dma_start3A_60] : memref<5000x320xf32, #tpu.memory_space<hbm>> -> memref<40x320xf32, #tpu.memory_space<hbm>>
        %dma_start3A_62 = arith.constant 0 : i32
        %dma_start3A_63 = tpu.memref_slice %arg2[%mul3A_55, %dma_start3A_62] : memref<5000x320xf32, #tpu.memory_space<hbm>> -> memref<40x320xf32, #tpu.memory_space<hbm>>
        tpu.enqueue_dma source(%dma_start3A_63 : memref<40x320xf32, #tpu.memory_space<hbm>>) target(%arg7 : memref<40x320xf32, #tpu.memory_space<vmem>>) target_semaphore(%run_scoped3A : memref<!tpu.dma_semaphore, #tpu.memory_space<semaphore_mem>>)
        %dma_wait3A_64 = arith.constant 0 : i32
        %dma_wait3A_65 = tpu.memref_slice %arg2[%mul3A_55, %dma_wait3A_64] : memref<5000x320xf32, #tpu.memory_space<hbm>> -> memref<40x320xf32, #tpu.memory_space<hbm>>
        %dma_wait3A_66 = arith.constant 0 : i32
        %dma_wait3A_67 = tpu.memref_slice %arg2[%mul3A_55, %dma_wait3A_66] : memref<5000x320xf32, #tpu.memory_space<hbm>> -> memref<40x320xf32, #tpu.memory_space<hbm>>
        tpu.wait_dma2 semaphore(%run_scoped3A : memref<!tpu.dma_semaphore, #tpu.memory_space<semaphore_mem>>) src(%dma_wait3A_67 : memref<40x320xf32, #tpu.memory_space<hbm>>) dst(%arg7 : memref<40x320xf32, #tpu.memory_space<vmem>>)
        tpu.yield
      }) : () -> ()
      %dma_start3A = arith.constant 0 : i32
      %dma_start3A_56 = arith.constant 0 : i32
      %dma_start3A_57 = tpu.memref_slice %arg5[%dma_start3A, %dma_start3A_56] : memref<10000x320xf32, #tpu.memory_space<hbm>> -> memref<10000x320xf32, #tpu.memory_space<hbm>>
      tpu.enqueue_indirect_dma source(%arg7 : memref<40x320xf32, #tpu.memory_space<vmem>>) target(%dma_start3A_57 : memref<10000x320xf32, #tpu.memory_space<hbm>>) offsets(%arg6 : memref<40xi32, #tpu.memory_space<vmem>>) semaphore(%arg9 : memref<!tpu.dma_semaphore, #tpu.memory_space<semaphore_mem>>)
      %dma_wait3A = arith.constant 0 : i32
      %dma_wait3A_58 = arith.constant 0 : i32
      %dma_wait3A_59 = tpu.memref_slice %arg5[%dma_wait3A, %dma_wait3A_58] : memref<10000x320xf32, #tpu.memory_space<hbm>> -> memref<10000x320xf32, #tpu.memory_space<hbm>>
      tpu.wait_indirect_dma semaphore(%arg9 : memref<!tpu.dma_semaphore, #tpu.memory_space<semaphore_mem>>) src(%arg7 : memref<40x320xf32, #tpu.memory_space<vmem>>) dst(%dma_wait3A_59 : memref<10000x320xf32, #tpu.memory_space<hbm>>)
    } else {
    }
    %add3A_19 = arith.constant 96 : i32
    %add3A_20 = arith.addi %add3A, %add3A_19 : i32
    %lt3A_21 = arith.constant 125 : i32
    %lt3A_22 = arith.cmpi slt, %add3A_20, %lt3A_21 : i32
    %convert_element_type3A_23 = arith.extui %lt3A_22 : i1 to i32
    %cond3A_24 = arith.constant 0 : i32
    %cond3A_25 = arith.cmpi ne, %convert_element_type3A_23, %cond3A_24 : i32
    scf.if %cond3A_25 {
      %mul3A_54 = arith.constant 40 : i32
      %mul3A_55 = arith.muli %add3A_20, %mul3A_54 : i32
      "tpu.region"() ({
        %run_scoped3A = tpu.sem_alloc : memref<!tpu.dma_semaphore, #tpu.memory_space<semaphore_mem>>
        %dma_start3A_60 = tpu.memref_slice %arg3[%mul3A_55] : memref<5000xi32, #tpu.memory_space<hbm>> -> memref<40xi32, #tpu.memory_space<hbm>>
        %dma_start3A_61 = tpu.memref_slice %arg3[%mul3A_55] : memref<5000xi32, #tpu.memory_space<hbm>> -> memref<40xi32, #tpu.memory_space<hbm>>
        tpu.enqueue_dma source(%dma_start3A_61 : memref<40xi32, #tpu.memory_space<hbm>>) target(%arg6 : memref<40xi32, #tpu.memory_space<vmem>>) target_semaphore(%run_scoped3A : memref<!tpu.dma_semaphore, #tpu.memory_space<semaphore_mem>>)
        %dma_wait3A_62 = tpu.memref_slice %arg3[%mul3A_55] : memref<5000xi32, #tpu.memory_space<hbm>> -> memref<40xi32, #tpu.memory_space<hbm>>
        %dma_wait3A_63 = tpu.memref_slice %arg3[%mul3A_55] : memref<5000xi32, #tpu.memory_space<hbm>> -> memref<40xi32, #tpu.memory_space<hbm>>
        tpu.wait_dma2 semaphore(%run_scoped3A : memref<!tpu.dma_semaphore, #tpu.memory_space<semaphore_mem>>) src(%dma_wait3A_63 : memref<40xi32, #tpu.memory_space<hbm>>) dst(%arg6 : memref<40xi32, #tpu.memory_space<vmem>>)
        tpu.yield
      }) : () -> ()
      "tpu.region"() ({
        %run_scoped3A = tpu.sem_alloc : memref<!tpu.dma_semaphore, #tpu.memory_space<semaphore_mem>>
        %dma_start3A_60 = arith.constant 0 : i32
        %dma_start3A_61 = tpu.memref_slice %arg2[%mul3A_55, %dma_start3A_60] : memref<5000x320xf32, #tpu.memory_space<hbm>> -> memref<40x320xf32, #tpu.memory_space<hbm>>
        %dma_start3A_62 = arith.constant 0 : i32
        %dma_start3A_63 = tpu.memref_slice %arg2[%mul3A_55, %dma_start3A_62] : memref<5000x320xf32, #tpu.memory_space<hbm>> -> memref<40x320xf32, #tpu.memory_space<hbm>>
        tpu.enqueue_dma source(%dma_start3A_63 : memref<40x320xf32, #tpu.memory_space<hbm>>) target(%arg7 : memref<40x320xf32, #tpu.memory_space<vmem>>) target_semaphore(%run_scoped3A : memref<!tpu.dma_semaphore, #tpu.memory_space<semaphore_mem>>)
        %dma_wait3A_64 = arith.constant 0 : i32
        %dma_wait3A_65 = tpu.memref_slice %arg2[%mul3A_55, %dma_wait3A_64] : memref<5000x320xf32, #tpu.memory_space<hbm>> -> memref<40x320xf32, #tpu.memory_space<hbm>>
        %dma_wait3A_66 = arith.constant 0 : i32
        %dma_wait3A_67 = tpu.memref_slice %arg2[%mul3A_55, %dma_wait3A_66] : memref<5000x320xf32, #tpu.memory_space<hbm>> -> memref<40x320xf32, #tpu.memory_space<hbm>>
        tpu.wait_dma2 semaphore(%run_scoped3A : memref<!tpu.dma_semaphore, #tpu.memory_space<semaphore_mem>>) src(%dma_wait3A_67 : memref<40x320xf32, #tpu.memory_space<hbm>>) dst(%arg7 : memref<40x320xf32, #tpu.memory_space<vmem>>)
        tpu.yield
      }) : () -> ()
      %dma_start3A = arith.constant 0 : i32
      %dma_start3A_56 = arith.constant 0 : i32
      %dma_start3A_57 = tpu.memref_slice %arg5[%dma_start3A, %dma_start3A_56] : memref<10000x320xf32, #tpu.memory_space<hbm>> -> memref<10000x320xf32, #tpu.memory_space<hbm>>
      tpu.enqueue_indirect_dma source(%arg7 : memref<40x320xf32, #tpu.memory_space<vmem>>) target(%dma_start3A_57 : memref<10000x320xf32, #tpu.memory_space<hbm>>) offsets(%arg6 : memref<40xi32, #tpu.memory_space<vmem>>) semaphore(%arg9 : memref<!tpu.dma_semaphore, #tpu.memory_space<semaphore_mem>>)
      %dma_wait3A = arith.constant 0 : i32
      %dma_wait3A_58 = arith.constant 0 : i32
      %dma_wait3A_59 = tpu.memref_slice %arg5[%dma_wait3A, %dma_wait3A_58] : memref<10000x320xf32, #tpu.memory_space<hbm>> -> memref<10000x320xf32, #tpu.memory_space<hbm>>
      tpu.wait_indirect_dma semaphore(%arg9 : memref<!tpu.dma_semaphore, #tpu.memory_space<semaphore_mem>>) src(%arg7 : memref<40x320xf32, #tpu.memory_space<vmem>>) dst(%dma_wait3A_59 : memref<10000x320xf32, #tpu.memory_space<hbm>>)
    } else {
    }
    %add3A_26 = arith.constant 0 : i32
    %add3A_27 = arith.addi %add3A, %add3A_26 : i32
    %lt3A_28 = arith.constant 125 : i32
    %lt3A_29 = arith.cmpi slt, %add3A_27, %lt3A_28 : i32
    %convert_element_type3A_30 = arith.extui %lt3A_29 : i1 to i32
    %cond3A_31 = arith.constant 0 : i32
    %cond3A_32 = arith.cmpi ne, %convert_element_type3A_30, %cond3A_31 : i32
    scf.if %cond3A_32 {
      %mul3A_54 = arith.constant 40 : i32
      %mul3A_55 = arith.muli %add3A_27, %mul3A_54 : i32
      %add3A_56 = arith.constant 5000 : i32
      %add3A_57 = arith.addi %add3A_56, %mul3A_55 : i32
      "tpu.region"() ({
        %run_scoped3A = tpu.sem_alloc : memref<!tpu.dma_semaphore, #tpu.memory_space<semaphore_mem>>
        %dma_start3A = arith.constant 0 : i32
        %dma_start3A_58 = tpu.memref_slice %arg5[%add3A_57, %dma_start3A] : memref<10000x320xf32, #tpu.memory_space<hbm>> -> memref<40x320xf32, #tpu.memory_space<hbm>>
        %dma_start3A_59 = arith.constant 0 : i32
        %dma_start3A_60 = tpu.memref_slice %arg5[%add3A_57, %dma_start3A_59] : memref<10000x320xf32, #tpu.memory_space<hbm>> -> memref<40x320xf32, #tpu.memory_space<hbm>>
        tpu.enqueue_dma source(%arg8 : memref<40x320xf32, #tpu.memory_space<vmem>>) target(%dma_start3A_60 : memref<40x320xf32, #tpu.memory_space<hbm>>) target_semaphore(%run_scoped3A : memref<!tpu.dma_semaphore, #tpu.memory_space<semaphore_mem>>)
        %dma_wait3A = arith.constant 0 : i32
        %dma_wait3A_61 = tpu.memref_slice %arg5[%add3A_57, %dma_wait3A] : memref<10000x320xf32, #tpu.memory_space<hbm>> -> memref<40x320xf32, #tpu.memory_space<hbm>>
        %dma_wait3A_62 = arith.constant 0 : i32
        %dma_wait3A_63 = tpu.memref_slice %arg5[%add3A_57, %dma_wait3A_62] : memref<10000x320xf32, #tpu.memory_space<hbm>> -> memref<40x320xf32, #tpu.memory_space<hbm>>
        tpu.wait_dma2 semaphore(%run_scoped3A : memref<!tpu.dma_semaphore, #tpu.memory_space<semaphore_mem>>) src(%arg8 : memref<40x320xf32, #tpu.memory_space<vmem>>) dst(%dma_wait3A_63 : memref<40x320xf32, #tpu.memory_space<hbm>>)
        tpu.yield
      }) : () -> ()
    } else {
    }
    %add3A_33 = arith.constant 32 : i32
    %add3A_34 = arith.addi %add3A, %add3A_33 : i32
    %lt3A_35 = arith.constant 125 : i32
    %lt3A_36 = arith.cmpi slt, %add3A_34, %lt3A_35 : i32
    %convert_element_type3A_37 = arith.extui %lt3A_36 : i1 to i32
    %cond3A_38 = arith.constant 0 : i32
    %cond3A_39 = arith.cmpi ne, %convert_element_type3A_37, %cond3A_38 : i32
    scf.if %cond3A_39 {
      %mul3A_54 = arith.constant 40 : i32
      %mul3A_55 = arith.muli %add3A_34, %mul3A_54 : i32
      %add3A_56 = arith.constant 5000 : i32
      %add3A_57 = arith.addi %add3A_56, %mul3A_55 : i32
      "tpu.region"() ({
        %run_scoped3A = tpu.sem_alloc : memref<!tpu.dma_semaphore, #tpu.memory_space<semaphore_mem>>
        %dma_start3A = arith.constant 0 : i32
        %dma_start3A_58 = tpu.memref_slice %arg5[%add3A_57, %dma_start3A] : memref<10000x320xf32, #tpu.memory_space<hbm>> -> memref<40x320xf32, #tpu.memory_space<hbm>>
        %dma_start3A_59 = arith.constant 0 : i32
        %dma_start3A_60 = tpu.memref_slice %arg5[%add3A_57, %dma_start3A_59] : memref<10000x320xf32, #tpu.memory_space<hbm>> -> memref<40x320xf32, #tpu.memory_space<hbm>>
        tpu.enqueue_dma source(%arg8 : memref<40x320xf32, #tpu.memory_space<vmem>>) target(%dma_start3A_60 : memref<40x320xf32, #tpu.memory_space<hbm>>) target_semaphore(%run_scoped3A : memref<!tpu.dma_semaphore, #tpu.memory_space<semaphore_mem>>)
        %dma_wait3A = arith.constant 0 : i32
        %dma_wait3A_61 = tpu.memref_slice %arg5[%add3A_57, %dma_wait3A] : memref<10000x320xf32, #tpu.memory_space<hbm>> -> memref<40x320xf32, #tpu.memory_space<hbm>>
        %dma_wait3A_62 = arith.constant 0 : i32
        %dma_wait3A_63 = tpu.memref_slice %arg5[%add3A_57, %dma_wait3A_62] : memref<10000x320xf32, #tpu.memory_space<hbm>> -> memref<40x320xf32, #tpu.memory_space<hbm>>
        tpu.wait_dma2 semaphore(%run_scoped3A : memref<!tpu.dma_semaphore, #tpu.memory_space<semaphore_mem>>) src(%arg8 : memref<40x320xf32, #tpu.memory_space<vmem>>) dst(%dma_wait3A_63 : memref<40x320xf32, #tpu.memory_space<hbm>>)
        tpu.yield
      }) : () -> ()
    } else {
    }
    %add3A_40 = arith.constant 64 : i32
    %add3A_41 = arith.addi %add3A, %add3A_40 : i32
    %lt3A_42 = arith.constant 125 : i32
    %lt3A_43 = arith.cmpi slt, %add3A_41, %lt3A_42 : i32
    %convert_element_type3A_44 = arith.extui %lt3A_43 : i1 to i32
    %cond3A_45 = arith.constant 0 : i32
    %cond3A_46 = arith.cmpi ne, %convert_element_type3A_44, %cond3A_45 : i32
    scf.if %cond3A_46 {
      %mul3A_54 = arith.constant 40 : i32
      %mul3A_55 = arith.muli %add3A_41, %mul3A_54 : i32
      %add3A_56 = arith.constant 5000 : i32
      %add3A_57 = arith.addi %add3A_56, %mul3A_55 : i32
      "tpu.region"() ({
        %run_scoped3A = tpu.sem_alloc : memref<!tpu.dma_semaphore, #tpu.memory_space<semaphore_mem>>
        %dma_start3A = arith.constant 0 : i32
        %dma_start3A_58 = tpu.memref_slice %arg5[%add3A_57, %dma_start3A] : memref<10000x320xf32, #tpu.memory_space<hbm>> -> memref<40x320xf32, #tpu.memory_space<hbm>>
        %dma_start3A_59 = arith.constant 0 : i32
        %dma_start3A_60 = tpu.memref_slice %arg5[%add3A_57, %dma_start3A_59] : memref<10000x320xf32, #tpu.memory_space<hbm>> -> memref<40x320xf32, #tpu.memory_space<hbm>>
        tpu.enqueue_dma source(%arg8 : memref<40x320xf32, #tpu.memory_space<vmem>>) target(%dma_start3A_60 : memref<40x320xf32, #tpu.memory_space<hbm>>) target_semaphore(%run_scoped3A : memref<!tpu.dma_semaphore, #tpu.memory_space<semaphore_mem>>)
        %dma_wait3A = arith.constant 0 : i32
        %dma_wait3A_61 = tpu.memref_slice %arg5[%add3A_57, %dma_wait3A] : memref<10000x320xf32, #tpu.memory_space<hbm>> -> memref<40x320xf32, #tpu.memory_space<hbm>>
        %dma_wait3A_62 = arith.constant 0 : i32
        %dma_wait3A_63 = tpu.memref_slice %arg5[%add3A_57, %dma_wait3A_62] : memref<10000x320xf32, #tpu.memory_space<hbm>> -> memref<40x320xf32, #tpu.memory_space<hbm>>
        tpu.wait_dma2 semaphore(%run_scoped3A : memref<!tpu.dma_semaphore, #tpu.memory_space<semaphore_mem>>) src(%arg8 : memref<40x320xf32, #tpu.memory_space<vmem>>) dst(%dma_wait3A_63 : memref<40x320xf32, #tpu.memory_space<hbm>>)
        tpu.yield
      }) : () -> ()
    } else {
    }
    %add3A_47 = arith.constant 96 : i32
    %add3A_48 = arith.addi %add3A, %add3A_47 : i32
    %lt3A_49 = arith.constant 125 : i32
    %lt3A_50 = arith.cmpi slt, %add3A_48, %lt3A_49 : i32
    %convert_element_type3A_51 = arith.extui %lt3A_50 : i1 to i32
    %cond3A_52 = arith.constant 0 : i32
    %cond3A_53 = arith.cmpi ne, %convert_element_type3A_51, %cond3A_52 : i32
    scf.if %cond3A_53 {
      %mul3A_54 = arith.constant 40 : i32
      %mul3A_55 = arith.muli %add3A_48, %mul3A_54 : i32
      %add3A_56 = arith.constant 5000 : i32
      %add3A_57 = arith.addi %add3A_56, %mul3A_55 : i32
      "tpu.region"() ({
        %run_scoped3A = tpu.sem_alloc : memref<!tpu.dma_semaphore, #tpu.memory_space<semaphore_mem>>
        %dma_start3A = arith.constant 0 : i32
        %dma_start3A_58 = tpu.memref_slice %arg5[%add3A_57, %dma_start3A] : memref<10000x320xf32, #tpu.memory_space<hbm>> -> memref<40x320xf32, #tpu.memory_space<hbm>>
        %dma_start3A_59 = arith.constant 0 : i32
        %dma_start3A_60 = tpu.memref_slice %arg5[%add3A_57, %dma_start3A_59] : memref<10000x320xf32, #tpu.memory_space<hbm>> -> memref<40x320xf32, #tpu.memory_space<hbm>>
        tpu.enqueue_dma source(%arg8 : memref<40x320xf32, #tpu.memory_space<vmem>>) target(%dma_start3A_60 : memref<40x320xf32, #tpu.memory_space<hbm>>) target_semaphore(%run_scoped3A : memref<!tpu.dma_semaphore, #tpu.memory_space<semaphore_mem>>)
        %dma_wait3A = arith.constant 0 : i32
        %dma_wait3A_61 = tpu.memref_slice %arg5[%add3A_57, %dma_wait3A] : memref<10000x320xf32, #tpu.memory_space<hbm>> -> memref<40x320xf32, #tpu.memory_space<hbm>>
        %dma_wait3A_62 = arith.constant 0 : i32
        %dma_wait3A_63 = tpu.memref_slice %arg5[%add3A_57, %dma_wait3A_62] : memref<10000x320xf32, #tpu.memory_space<hbm>> -> memref<40x320xf32, #tpu.memory_space<hbm>>
        tpu.wait_dma2 semaphore(%run_scoped3A : memref<!tpu.dma_semaphore, #tpu.memory_space<semaphore_mem>>) src(%arg8 : memref<40x320xf32, #tpu.memory_space<vmem>>) dst(%dma_wait3A_63 : memref<40x320xf32, #tpu.memory_space<hbm>>)
        tpu.yield
      }) : () -> ()
    } else {
    }
    return
  }
}

module attributes {stable_mosaic.version = 14 : i64} {
  func.func @_tc_kernel(%arg0: i32, %arg1: memref<200x10000xf32, #tpu.memory_space<vmem>>, %arg2: memref<200x320xf32, #tpu.memory_space<vmem>>, %arg3: memref<320x320xf32, #tpu.memory_space<vmem>>, %arg4: memref<1x320xf32, #tpu.memory_space<vmem>>, %arg5: memref<200x10000xf32, #tpu.memory_space<vmem>>, %arg6: memref<200x320xf32, #tpu.memory_space<vmem>>) attributes {dimension_semantics = [#tpu.dimension_semantics<arbitrary>], iteration_bounds = array<i64: 50>, scalar_prefetch = 0 : i64, scratch_operands = 0 : i64, tpu.core_type = #tpu.core_type<tc>, window_params = [{transform_indices = @transform_0, window_bounds = array<i64: 200, 10000>}, {transform_indices = @transform_1, window_bounds = array<i64: 200, 320>}, {pipeline_mode = #tpu.pipeline_mode<synchronous>, transform_indices = @transform_2, window_bounds = array<i64: 320, 320>}, {pipeline_mode = #tpu.pipeline_mode<synchronous>, transform_indices = @transform_3, window_bounds = array<i64: 1, 320>}, {transform_indices = @transform_4, window_bounds = array<i64: 200, 10000>}, {transform_indices = @transform_5, window_bounds = array<i64: 200, 320>}]} {
    %get3A = arith.constant 0 : index
    %get3A_0 = arith.constant 0 : index
    %get3A_1 = vector.load %arg1[%get3A, %get3A_0] : memref<200x10000xf32, #tpu.memory_space<vmem>>, vector<200x10000xf32>
    %swap3A = arith.constant 0 : index
    %swap3A_2 = arith.constant 0 : index
    %swap3A_3 = vector.load %arg5[%swap3A, %swap3A_2] : memref<200x10000xf32, #tpu.memory_space<vmem>>, vector<200x10000xf32>
    tpu.vector_store %arg5[%swap3A, %swap3A_2], %get3A_1 {strides = array<i32>} : memref<200x10000xf32, #tpu.memory_space<vmem>>, vector<200x10000xf32>,
    %lt3A = arith.constant 25 : i32
    %lt3A_4 = arith.cmpi slt, %arg0, %lt3A : i32
    %convert_element_type3A = arith.extui %lt3A_4 : i1 to i32
    %cond3A = arith.constant 0 : i32
    %cond3A_5 = arith.cmpi ne, %convert_element_type3A, %cond3A : i32
    scf.if %cond3A_5 {
      %get3A_6 = arith.constant 0 : index
      %get3A_7 = arith.constant 0 : index
      %get3A_8 = vector.load %arg2[%get3A_6, %get3A_7] : memref<200x320xf32, #tpu.memory_space<vmem>>, vector<200x320xf32>
      %get3A_9 = arith.constant 0 : index
      %get3A_10 = arith.constant 0 : index
      %get3A_11 = vector.load %arg3[%get3A_9, %get3A_10] : memref<320x320xf32, #tpu.memory_space<vmem>>, vector<320x320xf32>
      %dot_general3A = arith.constant dense<0.000000e+00> : vector<200x320xf32>
      %dot_general3A_12 = tpu.matmul %get3A_8, %get3A_11, %dot_general3A {dimension_numbers = #tpu.dot_dimension_numbers<[1], [1], [0], [0], [0, 0, 1, 0], [], []>, transpose_lhs_hint = false} : vector<200x320xf32>, vector<320x320xf32>, vector<200x320xf32> -> vector<200x320xf32>
      %get3A_13 = arith.constant 0 : index
      %get3A_14 = arith.constant 0 : index
      %get3A_15 = vector.load %arg4[%get3A_13, %get3A_14] : memref<1x320xf32, #tpu.memory_space<vmem>>, vector<1x320xf32>
      %add3A = vector.broadcast %get3A_15 : vector<1x320xf32> to vector<200x320xf32>
      %add3A_16 = arith.addf %dot_general3A_12, %add3A : vector<200x320xf32>
      %logistic3A = arith.negf %add3A_16 : vector<200x320xf32>
      %logistic3A_17 = math.exp %logistic3A : vector<200x320xf32>
      %logistic3A_18 = arith.constant 1.000000e+00 : f32
      %logistic3A_19 = vector.broadcast %logistic3A_18 : f32 to vector<200x320xf32>
      %logistic3A_20 = arith.addf %logistic3A_19, %logistic3A_17 : vector<200x320xf32>
      %logistic3A_21 = arith.divf %logistic3A_19, %logistic3A_20 : vector<200x320xf32>
      %mul3A = arith.mulf %get3A_8, %logistic3A_21 : vector<200x320xf32>
      %swap3A_22 = arith.constant 0 : index
      %swap3A_23 = arith.constant 0 : index
      %swap3A_24 = vector.load %arg6[%swap3A_22, %swap3A_23] : memref<200x320xf32, #tpu.memory_space<vmem>>, vector<200x320xf32>
      tpu.vector_store %arg6[%swap3A_22, %swap3A_23], %mul3A {strides = array<i32>} : memref<200x320xf32, #tpu.memory_space<vmem>>, vector<200x320xf32>,
    } else {
    }
    return
  }
  func.func @transform_0(%arg0: i32) -> (i32, i32) {
    %c0_i32 = arith.constant 0 : i32
    %c0_i32_0 = arith.constant 0 : i32
    return %arg0, %c0_i32 : i32, i32
  }
  func.func @transform_1(%arg0: i32) -> (i32, i32) {
    %min3A = arith.constant 24 : i32
    %min3A_0 = arith.minsi %arg0, %min3A : i32
    %c0_i32 = arith.constant 0 : i32
    %c0_i32_1 = arith.constant 0 : i32
    return %min3A_0, %c0_i32 : i32, i32
  }
  func.func @transform_2(%arg0: i32) -> (i32, i32) {
    %c0_i32 = arith.constant 0 : i32
    %c0_i32_0 = arith.constant 0 : i32
    %c0_i32_1 = arith.constant 0 : i32
    return %c0_i32, %c0_i32_0 : i32, i32
  }
  func.func @transform_3(%arg0: i32) -> (i32, i32) {
    %c0_i32 = arith.constant 0 : i32
    %c0_i32_0 = arith.constant 0 : i32
    %c0_i32_1 = arith.constant 0 : i32
    return %c0_i32, %c0_i32_0 : i32, i32
  }
  func.func @transform_4(%arg0: i32) -> (i32, i32) {
    %c0_i32 = arith.constant 0 : i32
    %c0_i32_0 = arith.constant 0 : i32
    return %arg0, %c0_i32 : i32, i32
  }
  func.func @transform_5(%arg0: i32) -> (i32, i32) {
    %min3A = arith.constant 24 : i32
    %min3A_0 = arith.minsi %arg0, %min3A : i32
    %c0_i32 = arith.constant 0 : i32
    %c0_i32_1 = arith.constant 0 : i32
    return %min3A_0, %c0_i32 : i32, i32
  }
}

</mosaic_0001>

<sc_bundles>
// kernel: kernel.4.cloned.1.call-start
scs
__scs_entry_jumppad:
0x0: {  	(pc) =	sbr.rel $0x88, $3  }
0x1: {  	(tag) =	ssettag $0x0;
	lr =	simm.s32 $0x1  }
0x2: {  	[smem:$0x3F9C] =	sst lr;
	_ =	strace $0xD0000000  }
0x3: {  	_ = 	snop  }
0x4: {  	_ = 	snop  }
0x5: {  	_ = 	snop  }
0x6: {  	_ = 	snop  }
0x7: {  	_ = 	snop  }
__scs_overlays_trampoline_lowered:
0x8: {  	[smem:$0x3FAB] =	sst s0  }
0x9: {  	[smem:$0x3FAC] =	sst s1  }
0xa: {  	[smem:$0x3FAD] =	sst s2  }
0xb: {  	[smem:$0x3FAE] =	sst s3  }
0xc: {  	[smem:$0x3FAF] =	sst s4  }
0xd: {  	[smem:$0x3FB0] =	sst s5  }
0xe: {  	[smem:$0x3FB1] =	sst s6  }
0xf: {  	[smem:$0x3FB2] =	sst s7  }
0x10: {  	[smem:$0x3FB3] =	sst s8  }
0x11: {  	[smem:$0x3FB4] =	sst s9;
	s0 =	simm.s32 @!p0 $0x0  }
0x12: {  	s1 =	sld [smem:$0x3F9A];
	s0 =	simm.s32 @p0 $0x1  }
0x13: {  	[smem:$0x3FB5] =	sst s0;
	s0 =	simm.s32 @!p1 $0x0  }
0x14: {  	s2 =	sld [smem:$0x3F99];
	s0 =	simm.s32 @p1 $0x1  }
0x15: {  	[smem:$0x3FB6] =	sst s0;
	s0 =	simm.s32 @!p2 $0x0  }
0x16: {  	s3 =	sld [smem:$0x3FDB];
	s0 =	simm.s32 @p2 $0x1  }
0x17: {  	s4 =	simm.s32 $0x1BF5;
	[smem:$0x3FB8] =	sst s0  }
0x18: {  	s0 =	sld [smem:$0x3F9B];
	_ =	swait.ge [sflag:s4], $0x0  }
0x19: {  	s7 =	sld [smem:$0x3F9C]  }
0x1a: {  	s8 =	sadd.s32 $0xFFFFE003, lr  }
0x1b: {  	s9 =	sadd.s32 $0xFFFFFEF7, lr;
	s5 =	simm.s32 $0xFFFFFFFF;
	p2 =	slt.u32 s8, $0xFFFFF086  }
0x1c: {  	p1 =	slt.u32 s9, $0xF7A;
	s5 =	simm.s32 @!p2 $0x0  }
0x1d: {  	s5 =	simm.s32 @p1 $0x1;
	p0 =	seq.s32 s7, s2  }
0x1e: {  	s7 =	smul.u32 @!p0 $0xF7A, s2;
	p2 =	seq.s32 @!p0 s5, $0x0  }
0x1f: {  	s9 =	smul.u32 $0xF7A, s1;
	s8 =	simm.s32 @!p0 $0x1BF5;
	p2 =	por !p2, p0  }
0x20: {  	[sflag:s8] =	ssyncset.s32 @!p0 $0xFFFFF086;
	s6 =	sadd.s32 @!p0 s3, s7;
	s7 =	simm.s32 @!p0 $0x108  }
0x21: {  	s3 =	sadd.s32 s3, s9;
	s6 =	sadd.s32 @!p0 $0x88, s6;
	s7 =	simm.s32 @p2 $0x1082  }
0x22: {  	[simem:s7], [sflag:s8] =	dma.local @!p0 [hbm:s6], $0xF7A  }
0x23: {  	s9 =	sor.u32 $0xD0000000, s2;
	s6 =	simm.s32 $0x108;
	_ =	swait.ge @!p0 [sflag:s8], $0x0  }
0x24: {  	s3 =	sadd.s32 $0x88, s3;
	s6 =	simm.s32 @!p1 $0x1082;
	[sflag:s4] =	ssyncset.s32 $0xFFFFF086  }
0x25: {  	[simem:s6], [sflag:s4] =	dma.local [hbm:s3], $0xF7A  }
0x26: {  	[smem:$0x3F9C] =	sst s1;
	(tag) =	ssettag s2;
	_ =	strace s9  }
0x27: {  	s1 =	sld [smem:$0x3FAC]  }
0x28: {  	s2 =	sld [smem:$0x3FAD]  }
0x29: {  	s4 =	sld [smem:$0x3FAF]  }
0x2a: {  	p0 =	seq.s32 s5, $0x0;
	s5 =	sld [smem:$0x3FB0]  }
0x2b: {  	s6 =	sld [smem:$0x3FB1]  }
0x2c: {  	s7 =	sld [smem:$0x3FB2]  }
0x2d: {  	s3 =	simm.s32 $0x108;
	s8 =	sld [smem:$0x3FB3]  }
0x2e: {  	s3 =	simm.s32 @!p0 $0x1082;
	s9 =	sld [smem:$0x3FB4]  }
0x2f: {  	lr =	sadd.s32 s0, s3;
	s0 =	sld [smem:$0x3FAB]  }
0x30: {  	s3 =	sld [smem:$0x3FAE]  }
0x31: {  	[smem:$0x3FB7] =	sst s10  }
0x32: {  	s10 =	sld [smem:$0x3FB5];
	_ =	sdelay $0x3  }
0x33: {  	p0 =	seq.s32 s10, $0x1;
	s10 =	sld [smem:$0x3FB7];
	_ =	sdelay $0x3  }
0x34: {  	[smem:$0x3FB7] =	sst s10  }
0x35: {  	s10 =	sld [smem:$0x3FB6];
	_ =	sdelay $0x3  }
0x36: {  	p1 =	seq.s32 s10, $0x1;
	s10 =	sld [smem:$0x3FB7];
	_ =	sdelay $0x3  }
0x37: {  	[smem:$0x3FB7] =	sst s10  }
0x38: {  	s10 =	sld [smem:$0x3FB8]  }
0x39: {  	_ = 	snop;
	(pc) =	sbr.ind lr, $3  }
0x3a: {  	_ = 	snop  }
0x3b: {  	_ = 	snop  }
0x3c: {  	p2 =	seq.s32 s10, $0x1;
	s10 =	sld [smem:$0x3FB7]  }
0x3d: {  	_ =	shalt  }
0x3e: {  	_ =	shalt  }
0x3f: {  	_ =	shalt  }
0x40: {  	_ =	shalt  }
0x41: {  	_ =	shalt  }
0x42: {  	_ =	shalt  }
0x43: {  	_ =	shalt  }
0x44: {  	_ =	shalt  }
0x45: {  	_ =	shalt  }
0x46: {  	_ =	shalt  }
0x47: {  	_ =	shalt  }
0x48: {  	_ =	shalt  }
0x49: {  	_ =	shalt  }
0x4a: {  	_ =	shalt  }
0x4b: {  	_ =	shalt  }
0x4c: {  	_ =	shalt  }
0x4d: {  	_ =	shalt  }
0x4e: {  	_ =	shalt  }
0x4f: {  	_ =	shalt  }
0x50: {  	_ =	shalt  }
0x51: {  	_ =	shalt  }
0x52: {  	_ =	shalt  }
0x53: {  	_ =	shalt  }
0x54: {  	_ =	shalt  }
0x55: {  	_ =	shalt  }
0x56: {  	_ =	shalt  }
0x57: {  	_ =	shalt  }
0x58: {  	_ =	shalt  }
0x59: {  	_ =	shalt  }
0x5a: {  	_ =	shalt  }
0x5b: {  	_ =	shalt  }
0x5c: {  	_ =	shalt  }
0x5d: {  	_ =	shalt  }
0x5e: {  	_ =	shalt  }
0x5f: {  	_ =	shalt  }
0x60: {  	_ =	shalt  }
0x61: {  	_ =	shalt  }
0x62: {  	_ =	shalt  }
0x63: {  	_ =	shalt  }
0x64: {  	_ =	shalt  }
0x65: {  	_ =	shalt  }
0x66: {  	_ =	shalt  }
0x67: {  	_ =	shalt  }
0x68: {  	_ =	shalt  }
0x69: {  	_ =	shalt  }
0x6a: {  	_ =	shalt  }
0x6b: {  	_ =	shalt  }
0x6c: {  	_ =	shalt  }
0x6d: {  	_ =	shalt  }
0x6e: {  	_ =	shalt  }
0x6f: {  	_ =	shalt  }
0x70: {  	_ =	shalt  }
0x71: {  	_ =	shalt  }
0x72: {  	_ =	shalt  }
0x73: {  	_ =	shalt  }
0x74: {  	_ =	shalt  }
0x75: {  	_ =	shalt  }
0x76: {  	_ =	shalt  }
0x77: {  	_ =	shalt  }
0x78: {  	_ =	shalt  }
0x79: {  	_ =	shalt  }
0x7a: {  	_ =	shalt  }
0x7b: {  	_ =	shalt  }
0x7c: {  	_ =	shalt  }
0x7d: {  	_ =	shalt  }
0x7e: {  	_ =	shalt  }
0x7f: {  	_ =	shalt  }
0x80: {  	_ =	shalt  }
0x81: {  	_ =	shalt  }
0x82: {  	_ =	shalt  }
0x83: {  	_ =	shalt  }
0x84: {  	_ =	shalt  }
0x85: {  	_ =	shalt  }
0x86: {  	_ =	shalt  }
0x87: {  	_ =	shalt  }
.Lfunc_end0:
.L_simem_size_0:
called_computation_lowered:
.L_overlay_start_0:
0x88: {  	s2 =	sld [smem:$0x3FD9]  }
0x89: {  	s3 =	sld [smem:$0x3FFE];
	_ =	sdelay $0x1  }
0x8a: {  	s1 =	srdreg.scid  }
0x8b: {  	s0 =	sand.u32 $0x1, s1  }
0x8c: {  	s14 =	sshll.u32 s0, $0xA;
	s2 =	sadd.s32 s3, s2  }
0x8d: {  	s2 =	sadd.s32 s2, s14  }
0x8e: {  	[smem:$0x3FC3] =	sst s2  }
0x8f: {  	_ = 	snop  }
0x90: {  	s2 =	sld [smem:$0x3FD0];
	_ =	sdelay $0x2  }
0x91: {  	s4 =	simm.s32 $0xA;
	s5 =	simm.s32 $0x10;
	s15 =	sld [smem:$0x3FC7]  }
0x92: {  	[smem:s5], [sflag:s4] =	dma.local [hbm:s2], $0x1  }
0x93: {  	_ =	swait.eq [sflag:s4], $0x1  }
0x94: {  	[sflag:s4] =	ssyncset.done $0x0  }
0x95: {  	[sflag:s4] =	ssyncadd.s32 $0xFFFFFFFF  }
0x96: {  	s16 =	sld [smem:$0x11];
	(tm) =	ssettm $0x1  }
0x97: {  	s17 =	sld [smem:$0x3FFB];
	_ =	sdelay $0x3  }
0x98: {  	_ =	strace s17  }
0x99: {  	s4 =	sld [smem:$0x3FFC];
	_ =	sdelay $0x3  }
0x9a: {  	_ =	strace s4  }
0x9b: {  	s4 =	sld [smem:$0x3FFD];
	_ =	sdelay $0x3  }
0x9c: {  	_ =	strace s4  }
0x9d: {  	_ =	strace $0x8FFFFFFF  }
0x9e: {  	s18 =	sld [smem:$0x3FDB];
	_ =	sdelay $0x1  }
0x9f: {  	s19 =	simm.s32 $_scs_section_size  }
0xa0: {  	s6 =	simm.s32 $_size__tile_overlayer_lowered;
	s7 =	simm.s32 $_tile_overlayer_lowered  }
0xa1: {  	s22 =	simm.s32 $0x1BFF;
	s21 =	sshll.u32 s7, $0x1;
	s4 =	sadd.s32 s19, s18  }
0xa2: {  	s8 =	simm.s32 $0x0;
	s20 =	sshll.u32 s6, $0x1;
	s6 =	sadd.s32 s21, s4  }
0xa3: {  	[timem:s8], [sflag:s22] =	dma.local [hbm:s6], s20  }
0xa4: {  	_ =	swait.ge [sflag:s22], s20  }
0xa5: {  	s5 =	ssub.s32 $0x0, s20;
	[sflag:s22] =	ssyncset.done $0x0  }
0xa6: {  	[sflag:s22] =	ssyncadd.s32 s5;
	_ =	sdelay $0x1  }
0xa7: {  	s23 =	simm.s32 $0x1B8B  }
0xa8: {  	_ =	swait.ge [sflag:s23], $0x1  }
0xa9: {  	[sflag:s23] =	ssyncset.done $0x0  }
0xaa: {  	s25 =	simm.s32 $0x1B8E;
	s24 =	sld [smem:$0x3FFE];
	[sflag:s23] =	ssyncadd.s32 $0xFFFFFFFF  }
0xab: {  	s26 =	simm.s32 $execute0_lowered;
	[smem:$0x3FD2] =	sst s25  }
0xac: {  	s6 =	sshll.u32 s26, $0x1;
	_ =	strace $0x80000046;
	[dreg:$0x1] =	wrdreg $0xFFFFFFFF  }
0xad: {  	s28 =	simm.s32 $_size_execute0_lowered;
	s4 =	sadd.s32 s4, s6;
	[dreg:$0x0] =	wrdreg $0x0  }
0xae: {  	s6 =	sshll.u32 s28, $0x1;
	[dreg:$0x2] =	wrdreg s4  }
0xaf: {  	[dreg:$0x3] =	wrdreg s6  }
0xb0: {  	[dreg:$0x4] =	wrdreg $0xC0  }
0xb1: {  	_ =	task [dreg:s8], $0x5FFFF  }
0xb2: {  	[dreg:$0x1] =	wrdreg $0xFFFFFFFF  }
0xb3: {  	[dreg:$0x0] =	wrdreg $0x60  }
0xb4: {  	[dreg:$0x2] =	wrdreg s24  }
0xb5: {  	[dreg:$0x3] =	wrdreg s15  }
0xb6: {  	[dreg:$0x4] =	wrdreg s16  }
0xb7: {  	[dreg:$0x5] =	wrdreg $0x9  }
0xb8: {  	_ =	task.clear_ibuf [dreg:s8], $0x6FFFF;
	_ =	strace $0x90000046  }
0xb9: {  	s29 =	simm.s32 $0x9;
	_ =	strace $0x80000048  }
0xba: {  	_ =	swait.ge [sflag:s29], $0x1  }
0xbb: {  	[sflag:s29] =	ssyncadd.s32 $0xFFFFFFFF  }
0xbc: {  	_ =	strace $0x90000048  }
0xbd: {  	_ =	sfence  }
0xbe: {  	s30 =	sld [smem:$0x0];
	_ =	sdelay $0x2  }
0xbf: {  	s31 =	sshll.u32 s1, $0xD;
	s1 =	sshrl.u32 s1, $0x2  }
0xc0: {  	s3 =	sand.u32 $0x4000, s31;
	s1 =	sadd.s32 s1, s30  }
0xc1: {  	s0 =	sor.u32 s3, s0;
	s1 =	sshll.u32 s1, $0x11  }
0xc2: {  	s0 =	sor.u32 s1, s0  }
0xc3: {  	s0 =	sadd.s32 $0x8F2B, s0  }
0xc4: {  	[sflag:s0] =	ssyncadd.remote.s32 $0x1  }
0xc5: {  	_ =	sfence.sel $0xFFFF  }
0xc6: {  	[dreg:$0x0] =	wrdreg $0xFFFFFFFF;
	(pc) =	sbr.abs _section_cstart, $3  }
0xc7: {  	[dreg:$0x1] =	wrdreg $0xFFFFFFFF  }
0xc8: {  	_ =	task.clear_ibuf [dreg:s8], $0x2FFFF;
	_ =	strace $0x9FFFFFFF  }
0xc9: {  	(tm) =	ssettm $0x7FFFFFFF  }
tec
execute0_lowered:
.L_overlay_start_1:
0x0: {  	(tag) =	ssettag $0x1  }
0x1: {  	s8 =	rddreg [dreg:$0x0]  }
0x2: {  	s15 =	rddreg [dreg:$0x1]  }
0x3: {  	s2 =	rddreg [dreg:$0x2]  }
0x4: {  	s0 =	rddreg [dreg:$0x3];
	s3 =	simm.s32 $0x0;
	s5 =	srdreg.scid  }
0x5: {  	s1 =	stileid.u32;
	s6 =	simm.s32 $0x2;
	[smem:$0x7FF] =	sst s3  }
0x6: {  	s4 =	sadd.s32 $0x31600, s8;
	s23 =	sand.u32 $0x1, s5;
	s28 =	sshll.u32 s1, $0x1  }
0x7: {  	s5 =	simm.s32 $0x3228;
	_ =	strace $0x80000047;
	s20 =	sor.u32 s23, s28  }
0x8: {  	[tilespmem:s5], [sflag:$0x2] =	stream.linear.gather [hbm4b:s4+s3], $0x3200, $0x38;
	[tilespmem:$0x6428] =	vst v63  }
0x9: {  	s7 =	smul.u32 $0x5, s20;
	_ =	swait.ge [sflag:s6], $0x3200  }
0xa: {  	[sflag:s6] =	ssyncset.done $0x0  }
0xb: {  	s7 =	sadd.s32 s15, s7;
	[sflag:s6] =	ssyncadd.s32 $0xFFFFCE00  }
0xc: {  	[tilespmem:s3], [sflag:$0x2] =	stream.linear.gather [hbm4b:s7+s3], $0x28, $0x38;
	[tilespmem:$0x6428] =	vst v63  }
0xd: {  	s9 =	smul.u32 $0x640, s20;
	_ =	swait.ge [sflag:s6], $0x28  }
0xe: {  	s18 =	sadd.s32 $0x800, s8;
	[sflag:s6] =	ssyncset.done $0x0  }
0xf: {  	s8 =	sadd.s32 s18, s9;
	s9 =	simm.s32 $0x28;
	[sflag:s6] =	ssyncadd.s32 $0xFFFFFFD8  }
0x10: {  	[tilespmem:s9], [sflag:$0x2] =	stream.linear.gather [hbm4b:s8+s3], $0x3200, $0x38;
	[tilespmem:$0x6428] =	vst v63  }
0x11: {  	_ =	swait.ge [sflag:s6], $0x3200  }
0x12: {  	[sflag:s6] =	ssyncset.done $0x0  }
0x13: {  	s10 =	simm.s32 $0x1;
	s22 =	sor.u32 $0x20, s20;
	[sflag:s6] =	ssyncadd.s32 $0xFFFFCE00  }
0x14: {  	[hbm4b:s2+s9] =	stream.indirect.scatter [tilespmem:s9], [sflag:$0x1], $0x140, s3, s9, $0xb8;
	[tilespmem:$0x6428] =	vst v63  }
0x15: {  	s11 =	smul.u32 $0x5, s22;
	_ =	swait.ge [sflag:s10], $0x3200  }
0x16: {  	[sflag:s10] =	ssyncset.done $0x0  }
0x17: {  	s11 =	sadd.s32 s15, s11;
	[sflag:s10] =	ssyncadd.s32 $0xFFFFCE00  }
0x18: {  	[tilespmem:s3], [sflag:$0x2] =	stream.linear.gather [hbm4b:s11+s3], $0x28, $0x38;
	[tilespmem:$0x6428] =	vst v63  }
0x19: {  	s12 =	smul.u32 $0x640, s22;
	_ =	swait.ge [sflag:s6], $0x28  }
0x1a: {  	[sflag:s6] =	ssyncset.done $0x0  }
0x1b: {  	s12 =	sadd.s32 s18, s12;
	[sflag:s6] =	ssyncadd.s32 $0xFFFFFFD8  }
0x1c: {  	[tilespmem:s9], [sflag:$0x2] =	stream.linear.gather [hbm4b:s12+s3], $0x3200, $0x38;
	[tilespmem:$0x6428] =	vst v63  }
0x1d: {  	_ =	swait.ge [sflag:s6], $0x3200  }
0x1e: {  	[sflag:s6] =	ssyncset.done $0x0  }
0x1f: {  	s24 =	sor.u32 $0x40, s20;
	[sflag:s6] =	ssyncadd.s32 $0xFFFFCE00  }
0x20: {  	[hbm4b:s2+s9] =	stream.indirect.scatter [tilespmem:s9], [sflag:$0x1], $0x140, s3, s9, $0xb8;
	[tilespmem:$0x6428] =	vst v63  }
0x21: {  	s13 =	smul.u32 $0x5, s24;
	_ =	swait.ge [sflag:s10], $0x3200  }
0x22: {  	[sflag:s10] =	ssyncset.done $0x0  }
0x23: {  	s13 =	sadd.s32 s15, s13;
	[sflag:s10] =	ssyncadd.s32 $0xFFFFCE00  }
0x24: {  	[tilespmem:s3], [sflag:$0x2] =	stream.linear.gather [hbm4b:s13+s3], $0x28, $0x38;
	[tilespmem:$0x6428] =	vst v63  }
0x25: {  	s14 =	smul.u32 $0x640, s24;
	_ =	swait.ge [sflag:s6], $0x28  }
0x26: {  	[sflag:s6] =	ssyncset.done $0x0  }
0x27: {  	s14 =	sadd.s32 s18, s14;
	[sflag:s6] =	ssyncadd.s32 $0xFFFFFFD8  }
0x28: {  	[tilespmem:s9], [sflag:$0x2] =	stream.linear.gather [hbm4b:s14+s3], $0x3200, $0x38;
	[tilespmem:$0x6428] =	vst v63  }
0x29: {  	_ =	swait.ge [sflag:s6], $0x3200  }
0x2a: {  	[sflag:s6] =	ssyncset.done $0x0  }
0x2b: {  	s25 =	sor.u32 $0x60, s20;
	[sflag:s6] =	ssyncadd.s32 $0xFFFFCE00  }
0x2c: {  	[hbm4b:s2+s9] =	stream.indirect.scatter [tilespmem:s9], [sflag:$0x1], $0x140, s3, s9, $0xb8;
	[tilespmem:$0x6428] =	vst v63  }
0x2d: {  	p0 =	sgt.u32 s20, $0x1C;
	s16 =	smul.u32 $0x5, s25;
	_ =	swait.ge [sflag:s10], $0x3200  }
0x2e: {  	s17 =	simm.s32 @!p0 $0x0;
	[sflag:s10] =	ssyncset.done $0x0  }
0x2f: {  	s15 =	sadd.s32 s15, s16;
	s16 =	simm.s32 @!p0 $0x2;
	[sflag:s10] =	ssyncadd.s32 $0xFFFFCE00  }
0x30: {  	[tilespmem:s17], [sflag:$0x2] =	stream.linear.gather @!p0 [hbm4b:s15+s17], $0x28, $0x38;
	[tilespmem:$0x6428] =	vst v63  }
0x31: {  	s19 =	smul.u32 $0x640, s25;
	_ =	swait.ge @!p0 [sflag:s16], $0x28  }
0x32: {  	[sflag:s16] =	ssyncset.done @!p0 $0x0  }
0x33: {  	s18 =	sadd.s32 s18, s19;
	s19 =	simm.s32 @!p0 $0x28;
	[sflag:s16] =	ssyncadd.s32 @!p0 $0xFFFFFFD8  }
0x34: {  	[tilespmem:s19], [sflag:$0x2] =	stream.linear.gather @!p0 [hbm4b:s18+s17], $0x3200, $0x38;
	[tilespmem:$0x6428] =	vst v63  }
0x35: {  	_ =	swait.ge @!p0 [sflag:s16], $0x3200  }
0x36: {  	[sflag:s16] =	ssyncset.done @!p0 $0x0  }
0x37: {  	s21 =	smul.u32 $0x3200, s20;
	s20 =	simm.s32 @!p0 $0x1;
	[sflag:s16] =	ssyncadd.s32 @!p0 $0xFFFFCE00  }
0x38: {  	[hbm4b:s2+s19] =	stream.indirect.scatter @!p0 [tilespmem:s19], [sflag:$0x1], $0x140, s17, s19, $0xb8;
	[tilespmem:$0x6428] =	vst v63  }
0x39: {  	s21 =	sshrl.u32 s21, $0x3;
	_ =	swait.ge @!p0 [sflag:s20], $0x3200  }
0x3a: {  	s26 =	ssub.s32 $0x2, s23;
	s21 =	sadd.s32 s2, s21;
	[sflag:s20] =	ssyncset.done @!p0 $0x0  }
0x3b: {  	s22 =	smul.u32 $0x3200, s22;
	s21 =	sadd.s32 $0x30D40, s21;
	[sflag:s20] =	ssyncadd.s32 @!p0 $0xFFFFCE00  }
0x3c: {  	[hbm4b:s21+s3] =	stream.linear.scatter [tilespmem:s5], [sflag:$0x2], $0x3200, $0x38;
	[tilespmem:$0x6428] =	vst v63  }
0x3d: {  	s31 =	sshrl.u32 s26, $0x1;
	s22 =	sshrl.u32 s22, $0x3;
	_ =	swait.ge [sflag:s6], $0x3200  }
0x3e: {  	s24 =	smul.u32 $0x3200, s24;
	s22 =	sadd.s32 s2, s22;
	[sflag:s6] =	ssyncset.done $0x0  }
0x3f: {  	s30 =	smul.u32 $0x3200, s25;
	s22 =	sadd.s32 $0x30D40, s22;
	[sflag:s6] =	ssyncadd.s32 $0xFFFFCE00  }
0x40: {  	[hbm4b:s22+s3] =	stream.linear.scatter [tilespmem:s5], [sflag:$0x2], $0x3200, $0x38;
	[tilespmem:$0x6428] =	vst v63  }
0x41: {  	s25 =	ssub.s32 s26, s31;
	s24 =	sshrl.u32 s24, $0x3;
	_ =	swait.ge [sflag:s6], $0x3200  }
0x42: {  	s25 =	smax.u32 s25, $0x1;
	s29 =	sadd.s32 s2, s24;
	[sflag:s6] =	ssyncset.done $0x0  }
0x43: {  	s25 =	sadd.s32 $0xFFFFFFFF, s25;
	s23 =	sadd.s32 $0x30D40, s29;
	[sflag:s6] =	ssyncadd.s32 $0xFFFFCE00  }
0x44: {  	[hbm4b:s23+s3] =	stream.linear.scatter [tilespmem:s5], [sflag:$0x2], $0x3200, $0x38;
	[tilespmem:$0x6428] =	vst v63  }
0x45: {  	s24 =	sshrl.u32 s30, $0x3;
	p1 =	sne.s32 s25, $0x0;
	_ =	swait.ge [sflag:s6], $0x3200  }
.Ltmp0:
0x46: {  	s24 =	sadd.s32 s2, s24;
	[sflag:s6] =	ssyncset.done $0x0;
	(pc) =	sbr.rel @!p1 .LBB2_2-.Ltmp0, $4  }
0x47: {  	s26 =	simm.s32 @!p0 $0x3228;
	s24 =	sadd.s32 $0x30D40, s24;
	[sflag:s6] =	ssyncadd.s32 $0xFFFFCE00  }
0x48: {  	[hbm4b:s24+s17] =	stream.linear.scatter @!p0 [tilespmem:s26], [sflag:$0x2], $0x3200, $0x38;
	[tilespmem:$0x6428] =	vst v63  }
0x49: {  	_ =	swait.ge @!p0 [sflag:s16], $0x3200  }
0x4a: {  	[sflag:s16] =	ssyncset.done @!p0 $0x0  }
.LBB2_1:
0x4b: {  	s25 =	sadd.s32 $0xFFFFFFFF, s25;
	[sflag:s16] =	ssyncadd.s32 @!p0 $0xFFFFCE00  }
0x4c: {  	[tilespmem:s5], [sflag:$0x2] =	stream.linear.gather [hbm4b:s4+s3], $0x3200, $0x38;
	[tilespmem:$0x6428] =	vst v63  }
0x4d: {  	p1 =	sne.s32 s25, $0x0;
	_ =	swait.ge [sflag:s6], $0x3200  }
0x4e: {  	[sflag:s6] =	ssyncset.done $0x0  }
0x4f: {  	[sflag:s6] =	ssyncadd.s32 $0xFFFFCE00  }
0x50: {  	[tilespmem:s3], [sflag:$0x2] =	stream.linear.gather [hbm4b:s7+s3], $0x28, $0x38;
	[tilespmem:$0x6428] =	vst v63  }
0x51: {  	_ =	swait.ge [sflag:s6], $0x28  }
0x52: {  	[sflag:s6] =	ssyncset.done $0x0  }
0x53: {  	[sflag:s6] =	ssyncadd.s32 $0xFFFFFFD8  }
0x54: {  	[tilespmem:s9], [sflag:$0x2] =	stream.linear.gather [hbm4b:s8+s3], $0x3200, $0x38;
	[tilespmem:$0x6428] =	vst v63  }
0x55: {  	_ =	swait.ge [sflag:s6], $0x3200  }
0x56: {  	[sflag:s6] =	ssyncset.done $0x0  }
0x57: {  	[sflag:s6] =	ssyncadd.s32 $0xFFFFCE00  }
0x58: {  	[hbm4b:s2+s9] =	stream.indirect.scatter [tilespmem:s9], [sflag:$0x1], $0x140, s3, s9, $0xb8;
	[tilespmem:$0x6428] =	vst v63  }
0x59: {  	_ =	swait.ge [sflag:s10], $0x3200  }
0x5a: {  	[sflag:s10] =	ssyncset.done $0x0  }
0x5b: {  	[sflag:s10] =	ssyncadd.s32 $0xFFFFCE00  }
0x5c: {  	[tilespmem:s3], [sflag:$0x2] =	stream.linear.gather [hbm4b:s11+s3], $0x28, $0x38;
	[tilespmem:$0x6428] =	vst v63  }
0x5d: {  	_ =	swait.ge [sflag:s6], $0x28  }
0x5e: {  	[sflag:s6] =	ssyncset.done $0x0  }
0x5f: {  	[sflag:s6] =	ssyncadd.s32 $0xFFFFFFD8  }
0x60: {  	[tilespmem:s9], [sflag:$0x2] =	stream.linear.gather [hbm4b:s12+s3], $0x3200, $0x38;
	[tilespmem:$0x6428] =	vst v63  }
0x61: {  	_ =	swait.ge [sflag:s6], $0x3200  }
0x62: {  	[sflag:s6] =	ssyncset.done $0x0  }
0x63: {  	[sflag:s6] =	ssyncadd.s32 $0xFFFFCE00  }
0x64: {  	[hbm4b:s2+s9] =	stream.indirect.scatter [tilespmem:s9], [sflag:$0x1], $0x140, s3, s9, $0xb8;
	[tilespmem:$0x6428] =	vst v63  }
0x65: {  	_ =	swait.ge [sflag:s10], $0x3200  }
0x66: {  	[sflag:s10] =	ssyncset.done $0x0  }
0x67: {  	[sflag:s10] =	ssyncadd.s32 $0xFFFFCE00  }
0x68: {  	[tilespmem:s3], [sflag:$0x2] =	stream.linear.gather [hbm4b:s13+s3], $0x28, $0x38;
	[tilespmem:$0x6428] =	vst v63  }
0x69: {  	_ =	swait.ge [sflag:s6], $0x28  }
0x6a: {  	[sflag:s6] =	ssyncset.done $0x0  }
0x6b: {  	[sflag:s6] =	ssyncadd.s32 $0xFFFFFFD8  }
0x6c: {  	[tilespmem:s9], [sflag:$0x2] =	stream.linear.gather [hbm4b:s14+s3], $0x3200, $0x38;
	[tilespmem:$0x6428] =	vst v63  }
0x6d: {  	_ =	swait.ge [sflag:s6], $0x3200  }
0x6e: {  	[sflag:s6] =	ssyncset.done $0x0  }
0x6f: {  	[sflag:s6] =	ssyncadd.s32 $0xFFFFCE00  }
0x70: {  	[hbm4b:s2+s9] =	stream.indirect.scatter [tilespmem:s9], [sflag:$0x1], $0x140, s3, s9, $0xb8;
	[tilespmem:$0x6428] =	vst v63  }
0x71: {  	_ =	swait.ge [sflag:s10], $0x3200  }
0x72: {  	[sflag:s10] =	ssyncset.done $0x0  }
0x73: {  	[sflag:s10] =	ssyncadd.s32 $0xFFFFCE00  }
0x74: {  	[tilespmem:s17], [sflag:$0x2] =	stream.linear.gather @!p0 [hbm4b:s15+s17], $0x28, $0x38;
	[tilespmem:$0x6428] =	vst v63  }
0x75: {  	_ =	swait.ge @!p0 [sflag:s16], $0x28  }
0x76: {  	[sflag:s16] =	ssyncset.done @!p0 $0x0  }
0x77: {  	[sflag:s16] =	ssyncadd.s32 @!p0 $0xFFFFFFD8  }
0x78: {  	[tilespmem:s19], [sflag:$0x2] =	stream.linear.gather @!p0 [hbm4b:s18+s17], $0x3200, $0x38;
	[tilespmem:$0x6428] =	vst v63  }
0x79: {  	_ =	swait.ge @!p0 [sflag:s16], $0x3200  }
0x7a: {  	[sflag:s16] =	ssyncset.done @!p0 $0x0  }
0x7b: {  	[sflag:s16] =	ssyncadd.s32 @!p0 $0xFFFFCE00  }
0x7c: {  	[hbm4b:s2+s19] =	stream.indirect.scatter @!p0 [tilespmem:s19], [sflag:$0x1], $0x140, s17, s19, $0xb8;
	[tilespmem:$0x6428] =	vst v63  }
0x7d: {  	_ =	swait.ge @!p0 [sflag:s20], $0x3200  }
0x7e: {  	[sflag:s20] =	ssyncset.done @!p0 $0x0  }
0x7f: {  	[sflag:s20] =	ssyncadd.s32 @!p0 $0xFFFFCE00  }
0x80: {  	[hbm4b:s21+s3] =	stream.linear.scatter [tilespmem:s5], [sflag:$0x2], $0x3200, $0x38;
	[tilespmem:$0x6428] =	vst v63  }
0x81: {  	_ =	swait.ge [sflag:s6], $0x3200  }
0x82: {  	[sflag:s6] =	ssyncset.done $0x0  }
0x83: {  	[sflag:s6] =	ssyncadd.s32 $0xFFFFCE00  }
0x84: {  	[hbm4b:s22+s3] =	stream.linear.scatter [tilespmem:s5], [sflag:$0x2], $0x3200, $0x38;
	[tilespmem:$0x6428] =	vst v63  }
0x85: {  	_ =	swait.ge [sflag:s6], $0x3200  }
0x86: {  	[sflag:s6] =	ssyncset.done $0x0  }
0x87: {  	[sflag:s6] =	ssyncadd.s32 $0xFFFFCE00  }
0x88: {  	[hbm4b:s23+s3] =	stream.linear.scatter [tilespmem:s5], [sflag:$0x2], $0x3200, $0x38;
	[tilespmem:$0x6428] =	vst v63  }
0x89: {  	_ =	swait.ge [sflag:s6], $0x3200  }
.Ltmp1:
0x8a: {  	[sflag:s6] =	ssyncset.done $0x0;
	(pc) =	sbr.rel @p1 .LBB2_1-.Ltmp1, $4  }
0x8b: {  	[sflag:s6] =	ssyncadd.s32 $0xFFFFCE00  }
0x8c: {  	[hbm4b:s24+s17] =	stream.linear.scatter @!p0 [tilespmem:s26], [sflag:$0x2], $0x3200, $0x38;
	[tilespmem:$0x6428] =	vst v63  }
0x8d: {  	_ =	swait.ge @!p0 [sflag:s16], $0x3200  }
0x8e: {  	[sflag:s16] =	ssyncset.done @!p0 $0x0  }
.LBB2_2:
0x8f: {  	[sflag:s16] =	ssyncadd.s32 @!p0 $0xFFFFCE00  }
0x90: {  	_ =	sfence.sel $0x180000  }
0x91: {  	[bflag:$0x0] =	sbarrier.arrive $0xFFFF  }
0x92: {  	p0 =	sne.s32 s1, $0x0;
	_ =	strace $0x90000047  }
0x93: {  	s0 =	sadd.s32 @!p0 $0x100000, s0;
	[bflag:$0x2] =	sbarrier.arrive $0xFFFF  }
0x94: {  	[sflag:s0] =	ssyncadd.tile.s32 @!p0 $0x1;
	_ =	shalt  }
.Lfunc_end2:
_tile_overlayer_lowered:
.L_overlay_start_2:
0x95: {  	(tag) =	ssettag $0x2  }
0x96: {  	s0 =	rddreg [dreg:$0x0];
	s2 =	stileid.u32  }
0x97: {  	s1 =	rddreg [dreg:$0x1];
	p0 =	sne.s32 s2, $0x0  }
0x98: {  	s3 =	rddreg [dreg:$0x2];
	[bflag:$0x3] =	sbarrier.arrive $0xFFFF;
	s2 =	simm.s32 @!p0 $0x1C02  }
0x99: {  	[timem:s3], [sflag:s2] =	dma.local @!p0 [hbm:s0], s1  }
0x9a: {  	s0 =	simm.s32 @!p0 $0x2  }
0x9b: {  	_ =	swait.ge @!p0 [sflag:s0], s1  }
0x9c: {  	s1 =	ssub.s32 @!p0 $0x0, s1;
	[sflag:s0] =	ssyncset.done @!p0 $0x0  }
0x9d: {  	[sflag:s0] =	ssyncadd.s32 @!p0 s1  }
0x9e: {  	[bflag:$0x3] =	sbarrier.arrive $0xFFFF  }
0x9f: {  	_ =	shalt  }

</sc_bundles>
